<compile_context>
chip_gen: v7x
topology: tpu7x:2x2x1
jax: 0.10.2.dev20260603
libtpu: 0.0.44.dev20260713+nightly
codegen_flags: <defaults>
</compile_context>

<pallas_src>
import functools

import jax
import jax.numpy as jnp
from jax import lax
from jax.experimental import pallas as pl
from jax.experimental.pallas import tpu as pltpu
from jax.experimental.pallas import tpu_sc as plsc

_B = 16384
_NEG = 100
_LANES = 16
_NC = 2
_NS = 16
_NW = _NC * _NS
_ROWS_W = _B // _NW
_GROUPS = _ROWS_W // _LANES
_BIG = 3e38


def _sc_body(simt_hbm, len_hbm, lab_hbm, out_hbm, sim_v, len_v, lab_v, res_v):
    wid = lax.axis_index("s") * _NC + lax.axis_index("c")
    base_row = wid * _ROWS_W
    pltpu.sync_copy(simt_hbm.at[:, pl.ds(base_row, _ROWS_W)], sim_v)
    pltpu.sync_copy(len_hbm.at[pl.ds(base_row, _ROWS_W)], len_v)
    pltpu.sync_copy(lab_hbm.at[pl.ds(base_row, _ROWS_W)], lab_v)

    lane = lax.iota(jnp.int32, _LANES)
    zero = jnp.zeros((_LANES,), jnp.float32)
    bigv = jnp.full((_LANES,), jnp.float32(_BIG))
    c001 = jnp.full((_LANES,), jnp.float32(0.001))

    def group_body(g, grand):
        off = g * _LANES
        l_vec = len_v[pl.ds(off, _LANES)]

        def cbody(t, c):
            s0, s1, m0, m1 = c
            for k in range(4):
                cc = t * 4 + k
                x = sim_v[cc, pl.ds(off, _LANES)]
                xm = jnp.where(l_vec > cc, x, bigv)
                if k % 2 == 0:
                    s0 = s0 + jnp.minimum(xm, c001)
                    m0 = jnp.minimum(m0, xm)
                else:
                    s1 = s1 + jnp.minimum(xm, c001)
                    m1 = jnp.minimum(m1, xm)
            return (s0, s1, m0, m1)

        s0, s1, m0, m1 = lax.fori_loop(
            0, _NEG // 4, cbody, (zero, zero, bigv, bigv))
        s_vec = s0 + s1
        min_vec = jnp.minimum(m0, m1)
        relu_sum = jnp.float32(0.001 * _NEG) - s_vec
        lab = lab_v[pl.ds(off, _LANES)]
        mean = relu_sum / l_vec.astype(jnp.float32)
        u = min_vec + jnp.float32(0.15)
        mis = jnp.where(u >= 0, u, u * jnp.float32(0.01))
        return grand + jnp.where(lab == 1, mean, mis)

    grand = lax.fori_loop(0, _GROUPS, group_body, zero)
    res_v[...] = jnp.where(lane == 0, jnp.sum(grand), jnp.float32(0.0))
    pltpu.sync_copy(res_v, out_hbm.at[wid])


@jax.jit
def _mnloss_sc(sim_t, lengths, labels):
    mesh = plsc.VectorSubcoreMesh(core_axis_name="c", subcore_axis_name="s")
    run = functools.partial(
        pl.kernel,
        mesh=mesh,
        compiler_params=pltpu.CompilerParams(needs_layout_passes=False),
        out_type=jax.ShapeDtypeStruct((_NW, _LANES), jnp.float32),
        scratch_types=[
            pltpu.VMEM((_NEG, _ROWS_W), jnp.float32),
            pltpu.VMEM((_ROWS_W,), jnp.int32),
            pltpu.VMEM((_ROWS_W,), jnp.int32),
            pltpu.VMEM((_LANES,), jnp.float32),
        ],
    )(_sc_body)
    return run(sim_t, lengths, labels)


def kernel(sim_neg, train_mn_label, mn_length):
    partials = _mnloss_sc(sim_neg.T, mn_length, train_mn_label)
    return jnp.sum(partials).reshape(1)

# --- scband reference (transcript-rebuilt; emitter-appended) ---
"""Pipeline reference for scband-mnloss-25769803776122 (READ-ONLY COPY).

The authoritative reference and input builder live on the scoring server;
editing this copy changes nothing except your own understanding.
"""

import jax, jax.numpy as jnp
import numpy as np

B = 16384
NEG = 100

def setup_inputs(seed: int = 0) -> dict:
    key = jax.random.key(seed)
    k1, k2, k3 = jax.random.split(key, 3)
    sim_neg = jax.random.normal(k1, (B, NEG), dtype=jnp.float32)
    train_mn_label = jax.random.randint(k2, (B,), 0, 2, dtype=jnp.int32)
    # clamp lengths to >= 1 so no row has an empty slice (torch.min of empty errors)
    mn_length = jnp.maximum(jax.random.randint(k3, (B,), 0, 100, dtype=jnp.int32), 1)
    return {"sim_neg": sim_neg, "train_mn_label": train_mn_label, "mn_length": mn_length}

def reference(sim_neg, train_mn_label, mn_length):
    neg = sim_neg.shape[1]
    # mask of valid negatives per row: positions < mn_length[i]
    pos_mask = jnp.arange(neg)[None, :] < mn_length[:, None]
    aligned = (train_mn_label == 1)
    # aligned rows: mean over first L_i entries of relu(-sim + 0.001)
    relu_vals = jax.nn.relu(-sim_neg + 0.001)
    denom = jnp.maximum(mn_length, 1).astype(sim_neg.dtype)
    row_mean = jnp.sum(jnp.where(pos_mask, relu_vals, 0.0), axis=1) / denom
    aligned_loss = jnp.sum(jnp.where(aligned, row_mean, 0.0))
    # misaligned rows: leaky_relu(min over first L_i entries + 0.15)
    masked_sim = jnp.where(pos_mask, sim_neg, jnp.float32(1e9))
    row_min = jnp.min(masked_sim, axis=1)
    mis_vals = jax.nn.leaky_relu(row_min + 0.15)  # default negative_slope=0.01 matches torch
    misaligned_loss = jnp.sum(jnp.where(~aligned, mis_vals, 0.0))
    mn_loss = aligned_loss + misaligned_loss
    return mn_loss.reshape(1)

if __name__ == "__main__":
    import jax
    _d = setup_inputs()
    print(jax.jit(kernel)(*tuple(_d.values())))

</pallas_src>

<mosaic_0001>
#map = affine_map<(d0, d1) -> (0, 0)>
#map1 = affine_map<(d0, d1) -> (0)>
module attributes {stable_mosaic.version = 14 : i64} {
  func.func @_sc_body(%arg0: i32, %arg1: i32, %arg2: memref<100x16384xf32, #tpu.memory_space<hbm>>, %arg3: memref<16384xi32, #tpu.memory_space<hbm>>, %arg4: memref<16384xi32, #tpu.memory_space<hbm>>, %arg5: memref<32x16xf32, #tpu.memory_space<hbm>>, %arg6: memref<100x512xf32, #tpu.memory_space<vmem>>, %arg7: memref<512xi32, #tpu.memory_space<vmem>>, %arg8: memref<512xi32, #tpu.memory_space<vmem>>, %arg9: memref<16xf32, #tpu.memory_space<vmem>>) attributes {dimension_semantics = [#tpu.dimension_semantics<core_parallel>, #tpu.dimension_semantics<subcore_parallel>], iteration_bounds = array<i64: 2, 16>, scalar_prefetch = 0 : i64, scratch_operands = 4 : i64, tpu.core_type = #tpu.core_type<sc_vector_subcore>, window_params = [{transform_indices = #map}, {transform_indices = #map1}, {transform_indices = #map1}, {transform_indices = #map}]} {
    %mul3A = arith.constant 2 : i32
    %mul3A_0 = arith.muli %arg1, %mul3A : i32
    %add3A = arith.addi %mul3A_0, %arg0 : i32
    %mul3A_1 = arith.constant 512 : i32
    %mul3A_2 = arith.muli %add3A, %mul3A_1 : i32
    "tpu.region"() ({
      %run_scoped3A = tpu.sem_alloc : memref<!tpu.dma_semaphore, #tpu.memory_space<semaphore_mem>>
      %dma_start3A = arith.constant 0 : i32
      %dma_start3A_21 = tpu.memref_slice %arg2[%dma_start3A, %mul3A_2] : memref<100x16384xf32, #tpu.memory_space<hbm>> -> memref<100x512xf32, #tpu.memory_space<hbm>>
      %dma_start3A_22 = arith.constant 0 : i32
      %dma_start3A_23 = tpu.memref_slice %arg2[%dma_start3A_22, %mul3A_2] : memref<100x16384xf32, #tpu.memory_space<hbm>> -> memref<100x512xf32, #tpu.memory_space<hbm>>
      tpu.enqueue_dma source(%dma_start3A_23 : memref<100x512xf32, #tpu.memory_space<hbm>>) target(%arg6 : memref<100x512xf32, #tpu.memory_space<vmem>>) target_semaphore(%run_scoped3A : memref<!tpu.dma_semaphore, #tpu.memory_space<semaphore_mem>>)
      %dma_wait3A = arith.constant 0 : i32
      %dma_wait3A_24 = tpu.memref_slice %arg2[%dma_wait3A, %mul3A_2] : memref<100x16384xf32, #tpu.memory_space<hbm>> -> memref<100x512xf32, #tpu.memory_space<hbm>>
      %dma_wait3A_25 = arith.constant 0 : i32
      %dma_wait3A_26 = tpu.memref_slice %arg2[%dma_wait3A_25, %mul3A_2] : memref<100x16384xf32, #tpu.memory_space<hbm>> -> memref<100x512xf32, #tpu.memory_space<hbm>>
      tpu.wait_dma2 semaphore(%run_scoped3A : memref<!tpu.dma_semaphore, #tpu.memory_space<semaphore_mem>>) src(%dma_wait3A_26 : memref<100x512xf32, #tpu.memory_space<hbm>>) dst(%arg6 : memref<100x512xf32, #tpu.memory_space<vmem>>)
      tpu.yield
    }) : () -> ()
    "tpu.region"() ({
      %run_scoped3A = tpu.sem_alloc : memref<!tpu.dma_semaphore, #tpu.memory_space<semaphore_mem>>
      %dma_start3A = tpu.memref_slice %arg3[%mul3A_2] : memref<16384xi32, #tpu.memory_space<hbm>> -> memref<512xi32, #tpu.memory_space<hbm>>
      %dma_start3A_21 = tpu.memref_slice %arg3[%mul3A_2] : memref<16384xi32, #tpu.memory_space<hbm>> -> memref<512xi32, #tpu.memory_space<hbm>>
      tpu.enqueue_dma source(%dma_start3A_21 : memref<512xi32, #tpu.memory_space<hbm>>) target(%arg7 : memref<512xi32, #tpu.memory_space<vmem>>) target_semaphore(%run_scoped3A : memref<!tpu.dma_semaphore, #tpu.memory_space<semaphore_mem>>)
      %dma_wait3A = tpu.memref_slice %arg3[%mul3A_2] : memref<16384xi32, #tpu.memory_space<hbm>> -> memref<512xi32, #tpu.memory_space<hbm>>
      %dma_wait3A_22 = tpu.memref_slice %arg3[%mul3A_2] : memref<16384xi32, #tpu.memory_space<hbm>> -> memref<512xi32, #tpu.memory_space<hbm>>
      tpu.wait_dma2 semaphore(%run_scoped3A : memref<!tpu.dma_semaphore, #tpu.memory_space<semaphore_mem>>) src(%dma_wait3A_22 : memref<512xi32, #tpu.memory_space<hbm>>) dst(%arg7 : memref<512xi32, #tpu.memory_space<vmem>>)
      tpu.yield
    }) : () -> ()
    "tpu.region"() ({
      %run_scoped3A = tpu.sem_alloc : memref<!tpu.dma_semaphore, #tpu.memory_space<semaphore_mem>>
      %dma_start3A = tpu.memref_slice %arg4[%mul3A_2] : memref<16384xi32, #tpu.memory_space<hbm>> -> memref<512xi32, #tpu.memory_space<hbm>>
      %dma_start3A_21 = tpu.memref_slice %arg4[%mul3A_2] : memref<16384xi32, #tpu.memory_space<hbm>> -> memref<512xi32, #tpu.memory_space<hbm>>
      tpu.enqueue_dma source(%dma_start3A_21 : memref<512xi32, #tpu.memory_space<hbm>>) target(%arg8 : memref<512xi32, #tpu.memory_space<vmem>>) target_semaphore(%run_scoped3A : memref<!tpu.dma_semaphore, #tpu.memory_space<semaphore_mem>>)
      %dma_wait3A = tpu.memref_slice %arg4[%mul3A_2] : memref<16384xi32, #tpu.memory_space<hbm>> -> memref<512xi32, #tpu.memory_space<hbm>>
      %dma_wait3A_22 = tpu.memref_slice %arg4[%mul3A_2] : memref<16384xi32, #tpu.memory_space<hbm>> -> memref<512xi32, #tpu.memory_space<hbm>>
      tpu.wait_dma2 semaphore(%run_scoped3A : memref<!tpu.dma_semaphore, #tpu.memory_space<semaphore_mem>>) src(%dma_wait3A_22 : memref<512xi32, #tpu.memory_space<hbm>>) dst(%arg8 : memref<512xi32, #tpu.memory_space<vmem>>)
      tpu.yield
    }) : () -> ()
    %iota3A = tpu.iota {dimensions = array<i32: 0>} : vector<16xi32>
    %broadcast_in_dim3A = arith.constant 0.000000e+00 : f32
    %broadcast_in_dim3A_3 = vector.broadcast %broadcast_in_dim3A : f32 to vector<16xf32>
    %broadcast_in_dim3A_4 = arith.constant 3.000000e+38 : f32
    %broadcast_in_dim3A_5 = vector.broadcast %broadcast_in_dim3A_4 : f32 to vector<16xf32>
    %broadcast_in_dim3A_6 = arith.constant 1.000000e-03 : f32
    %broadcast_in_dim3A_7 = vector.broadcast %broadcast_in_dim3A_6 : f32 to vector<16xf32>
    %scan3A = arith.constant 0 : i32
    %scan3A_8 = arith.constant 32 : i32
    %scan3A_9 = arith.addi %scan3A, %scan3A_8 : i32
    %scan3A_10 = arith.constant 1 : i32
    %scan3A_11 = scf.for %scan3A_21 = %scan3A to %scan3A_9 step %scan3A_10 iter_args(%scan3A_22 = %broadcast_in_dim3A_3) -> (vector<16xf32>)  : i32 {
      %mul3A_23 = arith.constant 16 : i32
      %mul3A_24 = arith.muli %scan3A_21, %mul3A_23 : i32
      %get3A = arith.index_cast %mul3A_24 : i32 to index
      %get3A_25 = tpu.vector_load %arg7[%get3A] {strides = array<i32>} : memref<512xi32, #tpu.memory_space<vmem>>, vector<16xi32>,
      %scan3A_26 = arith.constant 0 : i32
      %scan3A_27 = arith.constant 25 : i32
      %scan3A_28 = arith.addi %scan3A_26, %scan3A_27 : i32
      %scan3A_29 = arith.constant 1 : i32
      %scan3A_30:4 = scf.for %scan3A_51 = %scan3A_26 to %scan3A_28 step %scan3A_29 iter_args(%scan3A_52 = %broadcast_in_dim3A_3, %scan3A_53 = %broadcast_in_dim3A_3, %scan3A_54 = %broadcast_in_dim3A_5, %scan3A_55 = %broadcast_in_dim3A_5) -> (vector<16xf32>, vector<16xf32>, vector<16xf32>, vector<16xf32>)  : i32 {
        %mul3A_56 = arith.constant 4 : i32
        %mul3A_57 = arith.muli %scan3A_51, %mul3A_56 : i32
        %add3A_58 = arith.constant 0 : i32
        %add3A_59 = arith.addi %mul3A_57, %add3A_58 : i32
        %get3A_60 = arith.index_cast %add3A_59 : i32 to index
        %get3A_61 = arith.index_cast %mul3A_24 : i32 to index
        %get3A_62 = tpu.vector_load %arg6[%get3A_60, %get3A_61] {strides = array<i32>} : memref<100x512xf32, #tpu.memory_space<vmem>>, vector<16xf32>,
        %gt3A = vector.broadcast %add3A_59 : i32 to vector<16xi32>
        %gt3A_63 = arith.cmpi sgt, %get3A_25, %gt3A : vector<16xi32>
        %select_n3A_64 = arith.select %gt3A_63, %get3A_62, %broadcast_in_dim3A_5 : vector<16xi1>, vector<16xf32>
        %min3A_65 = arith.minimumf %select_n3A_64, %broadcast_in_dim3A_7 : vector<16xf32>
        %add3A_66 = arith.addf %scan3A_52, %min3A_65 : vector<16xf32>
        %min3A_67 = arith.minimumf %scan3A_54, %select_n3A_64 : vector<16xf32>
        %mul3A_68 = arith.constant 4 : i32
        %mul3A_69 = arith.muli %scan3A_51, %mul3A_68 : i32
        %add3A_70 = arith.constant 1 : i32
        %add3A_71 = arith.addi %mul3A_69, %add3A_70 : i32
        %get3A_72 = arith.index_cast %add3A_71 : i32 to index
        %get3A_73 = arith.index_cast %mul3A_24 : i32 to index
        %get3A_74 = tpu.vector_load %arg6[%get3A_72, %get3A_73] {strides = array<i32>} : memref<100x512xf32, #tpu.memory_space<vmem>>, vector<16xf32>,
        %gt3A_75 = vector.broadcast %add3A_71 : i32 to vector<16xi32>
        %gt3A_76 = arith.cmpi sgt, %get3A_25, %gt3A_75 : vector<16xi32>
        %select_n3A_77 = arith.select %gt3A_76, %get3A_74, %broadcast_in_dim3A_5 : vector<16xi1>, vector<16xf32>
        %min3A_78 = arith.minimumf %select_n3A_77, %broadcast_in_dim3A_7 : vector<16xf32>
        %add3A_79 = arith.addf %scan3A_53, %min3A_78 : vector<16xf32>
        %min3A_80 = arith.minimumf %scan3A_55, %select_n3A_77 : vector<16xf32>
        %mul3A_81 = arith.constant 4 : i32
        %mul3A_82 = arith.muli %scan3A_51, %mul3A_81 : i32
        %add3A_83 = arith.constant 2 : i32
        %add3A_84 = arith.addi %mul3A_82, %add3A_83 : i32
        %get3A_85 = arith.index_cast %add3A_84 : i32 to index
        %get3A_86 = arith.index_cast %mul3A_24 : i32 to index
        %get3A_87 = tpu.vector_load %arg6[%get3A_85, %get3A_86] {strides = array<i32>} : memref<100x512xf32, #tpu.memory_space<vmem>>, vector<16xf32>,
        %gt3A_88 = vector.broadcast %add3A_84 : i32 to vector<16xi32>
        %gt3A_89 = arith.cmpi sgt, %get3A_25, %gt3A_88 : vector<16xi32>
        %select_n3A_90 = arith.select %gt3A_89, %get3A_87, %broadcast_in_dim3A_5 : vector<16xi1>, vector<16xf32>
        %min3A_91 = arith.minimumf %select_n3A_90, %broadcast_in_dim3A_7 : vector<16xf32>
        %add3A_92 = arith.addf %add3A_66, %min3A_91 : vector<16xf32>
        %min3A_93 = arith.minimumf %min3A_67, %select_n3A_90 : vector<16xf32>
        %mul3A_94 = arith.constant 4 : i32
        %mul3A_95 = arith.muli %scan3A_51, %mul3A_94 : i32
        %add3A_96 = arith.constant 3 : i32
        %add3A_97 = arith.addi %mul3A_95, %add3A_96 : i32
        %get3A_98 = arith.index_cast %add3A_97 : i32 to index
        %get3A_99 = arith.index_cast %mul3A_24 : i32 to index
        %get3A_100 = tpu.vector_load %arg6[%get3A_98, %get3A_99] {strides = array<i32>} : memref<100x512xf32, #tpu.memory_space<vmem>>, vector<16xf32>,
        %gt3A_101 = vector.broadcast %add3A_97 : i32 to vector<16xi32>
        %gt3A_102 = arith.cmpi sgt, %get3A_25, %gt3A_101 : vector<16xi32>
        %select_n3A_103 = arith.select %gt3A_102, %get3A_100, %broadcast_in_dim3A_5 : vector<16xi1>, vector<16xf32>
        %min3A_104 = arith.minimumf %select_n3A_103, %broadcast_in_dim3A_7 : vector<16xf32>
        %add3A_105 = arith.addf %add3A_79, %min3A_104 : vector<16xf32>
        %min3A_106 = arith.minimumf %min3A_80, %select_n3A_103 : vector<16xf32>
        scf.yield %add3A_92, %add3A_105, %min3A_93, %min3A_106 : vector<16xf32>, vector<16xf32>, vector<16xf32>, vector<16xf32>
      }
      %scan3A_31 = arith.constant 25 : i32
      %add3A_32 = arith.addf %scan3A_30#0, %scan3A_30#1 : vector<16xf32>
      %min3A = arith.minimumf %scan3A_30#2, %scan3A_30#3 : vector<16xf32>
      %sub3A = arith.constant 1.000000e-01 : f32
      %sub3A_33 = vector.broadcast %sub3A : f32 to vector<16xf32>
      %sub3A_34 = arith.subf %sub3A_33, %add3A_32 : vector<16xf32>
      %get3A_35 = arith.index_cast %mul3A_24 : i32 to index
      %get3A_36 = tpu.vector_load %arg8[%get3A_35] {strides = array<i32>} : memref<512xi32, #tpu.memory_space<vmem>>, vector<16xi32>,
      %convert_element_type3A = arith.sitofp %get3A_25 : vector<16xi32> to vector<16xf32>
      %div3A = arith.divf %sub3A_34, %convert_element_type3A : vector<16xf32>
      %add3A_37 = arith.constant 1.500000e-01 : f32
      %add3A_38 = vector.broadcast %add3A_37 : f32 to vector<16xf32>
      %add3A_39 = arith.addf %min3A, %add3A_38 : vector<16xf32>
      %ge3A = arith.constant 0.000000e+00 : f32
      %ge3A_40 = vector.broadcast %ge3A : f32 to vector<16xf32>
      %ge3A_41 = arith.cmpf oge, %add3A_39, %ge3A_40 : vector<16xf32>
      %mul3A_42 = arith.constant 0.00999999977 : f32
      %mul3A_43 = vector.broadcast %mul3A_42 : f32 to vector<16xf32>
      %mul3A_44 = arith.mulf %add3A_39, %mul3A_43 : vector<16xf32>
      %select_n3A_45 = arith.select %ge3A_41, %add3A_39, %mul3A_44 : vector<16xi1>, vector<16xf32>
      %eq3A_46 = arith.constant 1 : i32
      %eq3A_47 = vector.broadcast %eq3A_46 : i32 to vector<16xi32>
      %eq3A_48 = arith.cmpi eq, %get3A_36, %eq3A_47 : vector<16xi32>
      %select_n3A_49 = arith.select %eq3A_48, %div3A, %select_n3A_45 : vector<16xi1>, vector<16xf32>
      %add3A_50 = arith.addf %scan3A_22, %select_n3A_49 : vector<16xf32>
      scf.yield %add3A_50 : vector<16xf32>
    }
    %scan3A_12 = arith.constant 32 : i32
    %eq3A = arith.constant 0 : i32
    %eq3A_13 = vector.broadcast %eq3A : i32 to vector<16xi32>
    %eq3A_14 = arith.cmpi eq, %iota3A, %eq3A_13 : vector<16xi32>
    %reduce_sum3A = arith.constant true
    %reduce_sum3A_15 = vector.broadcast %reduce_sum3A : i1 to vector<16xi1>
    %reduce_sum3A_16 = tpu.scan <sum>, %scan3A_11 masked %reduce_sum3A_15 : vector<16xf32>, vector<16xi1> -> vector<16xf32>
    %reduce_sum3A_17 = vector.extract %reduce_sum3A_16[15] : f32 from vector<16xf32>
    %jit3A = arith.constant 0.000000e+00 : f32
    %broadcast_in_dim3A_18 = vector.broadcast %reduce_sum3A_17 : f32 to vector<16xf32>
    %broadcast_in_dim3A_19 = vector.broadcast %jit3A : f32 to vector<16xf32>
    %select_n3A = arith.select %eq3A_14, %broadcast_in_dim3A_18, %broadcast_in_dim3A_19 : vector<16xi1>, vector<16xf32>
    %swap3A = arith.constant 0 : index
    %swap3A_20 = tpu.vector_load %arg9[%swap3A] {strides = array<i32>} : memref<16xf32, #tpu.memory_space<vmem>>, vector<16xf32>,
    tpu.vector_store %arg9[%swap3A], %select_n3A {strides = array<i32>} : memref<16xf32, #tpu.memory_space<vmem>>, vector<16xf32>,
    "tpu.region"() ({
      %run_scoped3A = tpu.sem_alloc : memref<!tpu.dma_semaphore, #tpu.memory_space<semaphore_mem>>
      %dma_start3A = arith.constant 0 : i32
      %dma_start3A_21 = tpu.memref_slice %arg5[%add3A, %dma_start3A] : memref<32x16xf32, #tpu.memory_space<hbm>> -> memref<1x16xf32, #tpu.memory_space<hbm>>
      %dma_start3A_22 = tpu.memref_squeeze %dma_start3A_21 : memref<1x16xf32, #tpu.memory_space<hbm>> -> memref<16xf32, #tpu.memory_space<hbm>>
      %dma_start3A_23 = arith.constant 0 : i32
      %dma_start3A_24 = tpu.memref_slice %arg5[%add3A, %dma_start3A_23] : memref<32x16xf32, #tpu.memory_space<hbm>> -> memref<1x16xf32, #tpu.memory_space<hbm>>
      %dma_start3A_25 = tpu.memref_squeeze %dma_start3A_24 : memref<1x16xf32, #tpu.memory_space<hbm>> -> memref<16xf32, #tpu.memory_space<hbm>>
      tpu.enqueue_dma source(%arg9 : memref<16xf32, #tpu.memory_space<vmem>>) target(%dma_start3A_25 : memref<16xf32, #tpu.memory_space<hbm>>) target_semaphore(%run_scoped3A : memref<!tpu.dma_semaphore, #tpu.memory_space<semaphore_mem>>)
      %dma_wait3A = arith.constant 0 : i32
      %dma_wait3A_26 = tpu.memref_slice %arg5[%add3A, %dma_wait3A] : memref<32x16xf32, #tpu.memory_space<hbm>> -> memref<1x16xf32, #tpu.memory_space<hbm>>
      %dma_wait3A_27 = tpu.memref_squeeze %dma_wait3A_26 : memref<1x16xf32, #tpu.memory_space<hbm>> -> memref<16xf32, #tpu.memory_space<hbm>>
      %dma_wait3A_28 = arith.constant 0 : i32
      %dma_wait3A_29 = tpu.memref_slice %arg5[%add3A, %dma_wait3A_28] : memref<32x16xf32, #tpu.memory_space<hbm>> -> memref<1x16xf32, #tpu.memory_space<hbm>>
      %dma_wait3A_30 = tpu.memref_squeeze %dma_wait3A_29 : memref<1x16xf32, #tpu.memory_space<hbm>> -> memref<16xf32, #tpu.memory_space<hbm>>
      tpu.wait_dma2 semaphore(%run_scoped3A : memref<!tpu.dma_semaphore, #tpu.memory_space<semaphore_mem>>) src(%arg9 : memref<16xf32, #tpu.memory_space<vmem>>) dst(%dma_wait3A_30 : memref<16xf32, #tpu.memory_space<hbm>>)
      tpu.yield
    }) : () -> ()
    return
  }
}

</mosaic_0001>

<sc_bundles>
// kernel: _mnloss_sc.3.cloned.1.call-start
scs
__scs_entry_jumppad:
0x0: {  	(pc) =	sbr.rel $0x88, $3  }
0x1: {  	(tag) =	ssettag $0x0;
	lr =	simm.s32 $0x1  }
0x2: {  	[smem:$0x3F9E] =	sst lr;
	_ =	strace $0xD0000000  }
0x3: {  	_ = 	snop  }
0x4: {  	_ = 	snop  }
0x5: {  	_ = 	snop  }
0x6: {  	_ = 	snop  }
0x7: {  	_ = 	snop  }
__scs_overlays_trampoline_lowered:
0x8: {  	[smem:$0x3FAD] =	sst s0  }
0x9: {  	[smem:$0x3FAE] =	sst s1  }
0xa: {  	[smem:$0x3FAF] =	sst s2  }
0xb: {  	[smem:$0x3FB0] =	sst s3  }
0xc: {  	[smem:$0x3FB1] =	sst s4  }
0xd: {  	[smem:$0x3FB2] =	sst s5  }
0xe: {  	[smem:$0x3FB3] =	sst s6  }
0xf: {  	[smem:$0x3FB4] =	sst s7  }
0x10: {  	[smem:$0x3FB5] =	sst s8  }
0x11: {  	[smem:$0x3FB6] =	sst s9;
	s0 =	simm.s32 @!p0 $0x0  }
0x12: {  	s1 =	sld [smem:$0x3F9C];
	s0 =	simm.s32 @p0 $0x1  }
0x13: {  	[smem:$0x3FB7] =	sst s0;
	s0 =	simm.s32 @!p1 $0x0  }
0x14: {  	s2 =	sld [smem:$0x3F9B];
	s0 =	simm.s32 @p1 $0x1  }
0x15: {  	[smem:$0x3FB8] =	sst s0;
	s0 =	simm.s32 @!p2 $0x0  }
0x16: {  	s3 =	sld [smem:$0x3FDB];
	s0 =	simm.s32 @p2 $0x1  }
0x17: {  	s4 =	simm.s32 $0x1BF5;
	[smem:$0x3FBA] =	sst s0  }
0x18: {  	s0 =	sld [smem:$0x3F9D];
	_ =	swait.ge [sflag:s4], $0x0  }
0x19: {  	s7 =	sld [smem:$0x3F9E]  }
0x1a: {  	s8 =	sadd.s32 $0xFFFFE003, lr  }
0x1b: {  	s9 =	sadd.s32 $0xFFFFFEF7, lr;
	s5 =	simm.s32 $0xFFFFFFFF;
	p2 =	slt.u32 s8, $0xFFFFF086  }
0x1c: {  	p1 =	slt.u32 s9, $0xF7A;
	s5 =	simm.s32 @!p2 $0x0  }
0x1d: {  	s5 =	simm.s32 @p1 $0x1;
	p0 =	seq.s32 s7, s2  }
0x1e: {  	s7 =	smul.u32 @!p0 $0xF7A, s2;
	p2 =	seq.s32 @!p0 s5, $0x0  }
0x1f: {  	s9 =	smul.u32 $0xF7A, s1;
	s8 =	simm.s32 @!p0 $0x1BF5;
	p2 =	por !p2, p0  }
0x20: {  	[sflag:s8] =	ssyncset.s32 @!p0 $0xFFFFF086;
	s6 =	sadd.s32 @!p0 s3, s7;
	s7 =	simm.s32 @!p0 $0x108  }
0x21: {  	s3 =	sadd.s32 s3, s9;
	s6 =	sadd.s32 @!p0 $0x88, s6;
	s7 =	simm.s32 @p2 $0x1082  }
0x22: {  	[simem:s7], [sflag:s8] =	dma.local @!p0 [hbm:s6], $0xF7A  }
0x23: {  	s9 =	sor.u32 $0xD0000000, s2;
	s6 =	simm.s32 $0x108;
	_ =	swait.ge @!p0 [sflag:s8], $0x0  }
0x24: {  	s3 =	sadd.s32 $0x88, s3;
	s6 =	simm.s32 @!p1 $0x1082;
	[sflag:s4] =	ssyncset.s32 $0xFFFFF086  }
0x25: {  	[simem:s6], [sflag:s4] =	dma.local [hbm:s3], $0xF7A  }
0x26: {  	[smem:$0x3F9E] =	sst s1;
	(tag) =	ssettag s2;
	_ =	strace s9  }
0x27: {  	s1 =	sld [smem:$0x3FAE]  }
0x28: {  	s2 =	sld [smem:$0x3FAF]  }
0x29: {  	s4 =	sld [smem:$0x3FB1]  }
0x2a: {  	p0 =	seq.s32 s5, $0x0;
	s5 =	sld [smem:$0x3FB2]  }
0x2b: {  	s6 =	sld [smem:$0x3FB3]  }
0x2c: {  	s7 =	sld [smem:$0x3FB4]  }
0x2d: {  	s3 =	simm.s32 $0x108;
	s8 =	sld [smem:$0x3FB5]  }
0x2e: {  	s3 =	simm.s32 @!p0 $0x1082;
	s9 =	sld [smem:$0x3FB6]  }
0x2f: {  	lr =	sadd.s32 s0, s3;
	s0 =	sld [smem:$0x3FAD]  }
0x30: {  	s3 =	sld [smem:$0x3FB0]  }
0x31: {  	[smem:$0x3FB9] =	sst s10  }
0x32: {  	s10 =	sld [smem:$0x3FB7];
	_ =	sdelay $0x3  }
0x33: {  	p0 =	seq.s32 s10, $0x1;
	s10 =	sld [smem:$0x3FB9];
	_ =	sdelay $0x3  }
0x34: {  	[smem:$0x3FB9] =	sst s10  }
0x35: {  	s10 =	sld [smem:$0x3FB8];
	_ =	sdelay $0x3  }
0x36: {  	p1 =	seq.s32 s10, $0x1;
	s10 =	sld [smem:$0x3FB9];
	_ =	sdelay $0x3  }
0x37: {  	[smem:$0x3FB9] =	sst s10  }
0x38: {  	s10 =	sld [smem:$0x3FBA]  }
0x39: {  	_ = 	snop;
	(pc) =	sbr.ind lr, $3  }
0x3a: {  	_ = 	snop  }
0x3b: {  	_ = 	snop  }
0x3c: {  	p2 =	seq.s32 s10, $0x1;
	s10 =	sld [smem:$0x3FB9]  }
0x3d: {  	_ =	shalt  }
0x3e: {  	_ =	shalt  }
0x3f: {  	_ =	shalt  }
0x40: {  	_ =	shalt  }
0x41: {  	_ =	shalt  }
0x42: {  	_ =	shalt  }
0x43: {  	_ =	shalt  }
0x44: {  	_ =	shalt  }
0x45: {  	_ =	shalt  }
0x46: {  	_ =	shalt  }
0x47: {  	_ =	shalt  }
0x48: {  	_ =	shalt  }
0x49: {  	_ =	shalt  }
0x4a: {  	_ =	shalt  }
0x4b: {  	_ =	shalt  }
0x4c: {  	_ =	shalt  }
0x4d: {  	_ =	shalt  }
0x4e: {  	_ =	shalt  }
0x4f: {  	_ =	shalt  }
0x50: {  	_ =	shalt  }
0x51: {  	_ =	shalt  }
0x52: {  	_ =	shalt  }
0x53: {  	_ =	shalt  }
0x54: {  	_ =	shalt  }
0x55: {  	_ =	shalt  }
0x56: {  	_ =	shalt  }
0x57: {  	_ =	shalt  }
0x58: {  	_ =	shalt  }
0x59: {  	_ =	shalt  }
0x5a: {  	_ =	shalt  }
0x5b: {  	_ =	shalt  }
0x5c: {  	_ =	shalt  }
0x5d: {  	_ =	shalt  }
0x5e: {  	_ =	shalt  }
0x5f: {  	_ =	shalt  }
0x60: {  	_ =	shalt  }
0x61: {  	_ =	shalt  }
0x62: {  	_ =	shalt  }
0x63: {  	_ =	shalt  }
0x64: {  	_ =	shalt  }
0x65: {  	_ =	shalt  }
0x66: {  	_ =	shalt  }
0x67: {  	_ =	shalt  }
0x68: {  	_ =	shalt  }
0x69: {  	_ =	shalt  }
0x6a: {  	_ =	shalt  }
0x6b: {  	_ =	shalt  }
0x6c: {  	_ =	shalt  }
0x6d: {  	_ =	shalt  }
0x6e: {  	_ =	shalt  }
0x6f: {  	_ =	shalt  }
0x70: {  	_ =	shalt  }
0x71: {  	_ =	shalt  }
0x72: {  	_ =	shalt  }
0x73: {  	_ =	shalt  }
0x74: {  	_ =	shalt  }
0x75: {  	_ =	shalt  }
0x76: {  	_ =	shalt  }
0x77: {  	_ =	shalt  }
0x78: {  	_ =	shalt  }
0x79: {  	_ =	shalt  }
0x7a: {  	_ =	shalt  }
0x7b: {  	_ =	shalt  }
0x7c: {  	_ =	shalt  }
0x7d: {  	_ =	shalt  }
0x7e: {  	_ =	shalt  }
0x7f: {  	_ =	shalt  }
0x80: {  	_ =	shalt  }
0x81: {  	_ =	shalt  }
0x82: {  	_ =	shalt  }
0x83: {  	_ =	shalt  }
0x84: {  	_ =	shalt  }
0x85: {  	_ =	shalt  }
0x86: {  	_ =	shalt  }
0x87: {  	_ =	shalt  }
.Lfunc_end0:
.L_simem_size_0:
called_computation_lowered:
.L_overlay_start_0:
0x88: {  	s2 =	sld [smem:$0x3FD9]  }
0x89: {  	s3 =	sld [smem:$0x3FFE];
	_ =	sdelay $0x1  }
0x8a: {  	s1 =	srdreg.scid  }
0x8b: {  	s0 =	sand.u32 $0x1, s1  }
0x8c: {  	s17 =	sshll.u32 s0, $0xA;
	s2 =	sadd.s32 s3, s2  }
0x8d: {  	s2 =	sadd.s32 s2, s17  }
0x8e: {  	[smem:$0x3FC5] =	sst s2  }
0x8f: {  	_ = 	snop  }
0x90: {  	s2 =	sld [smem:$0x3FC9]  }
0x91: {  	s18 =	sld [smem:$0x3FC8]  }
0x92: {  	s4 =	sld [smem:$0x3FC7];
	(tm) =	ssettm $0x1  }
0x93: {  	s5 =	sld [smem:$0x3FFB];
	_ =	sdelay $0x3  }
0x94: {  	_ =	strace s5  }
0x95: {  	s5 =	sld [smem:$0x3FFC];
	_ =	sdelay $0x3  }
0x96: {  	_ =	strace s5  }
0x97: {  	s5 =	sld [smem:$0x3FFD];
	_ =	sdelay $0x3  }
0x98: {  	_ =	strace s5  }
0x99: {  	_ =	strace $0x8FFFFFFF  }
0x9a: {  	s19 =	sld [smem:$0x3FDB];
	_ =	sdelay $0x1  }
0x9b: {  	s6 =	simm.s32 $_scs_section_size  }
0x9c: {  	s7 =	simm.s32 $_size__tile_overlayer_lowered;
	s8 =	simm.s32 $_tile_overlayer_lowered  }
0x9d: {  	s22 =	simm.s32 $0x1BFF;
	s21 =	sshll.u32 s8, $0x1;
	s5 =	sadd.s32 s6, s19  }
0x9e: {  	s9 =	simm.s32 $0x0;
	s20 =	sshll.u32 s7, $0x1;
	s7 =	sadd.s32 s21, s5  }
0x9f: {  	[timem:s9], [sflag:s22] =	dma.local [hbm:s7], s20  }
0xa0: {  	_ =	swait.ge [sflag:s22], s20  }
0xa1: {  	s6 =	ssub.s32 $0x0, s20;
	[sflag:s22] =	ssyncset.done $0x0  }
0xa2: {  	[sflag:s22] =	ssyncadd.s32 s6;
	_ =	sdelay $0x1  }
0xa3: {  	s23 =	simm.s32 $0x1B8B  }
0xa4: {  	_ =	swait.ge [sflag:s23], $0x1  }
0xa5: {  	[sflag:s23] =	ssyncset.done $0x0  }
0xa6: {  	s25 =	simm.s32 $0x1B8E;
	s24 =	sld [smem:$0x3FFE];
	[sflag:s23] =	ssyncadd.s32 $0xFFFFFFFF  }
0xa7: {  	s26 =	simm.s32 $execute0_lowered;
	[smem:$0x3FD2] =	sst s25  }
0xa8: {  	s7 =	sshll.u32 s26, $0x1;
	_ =	strace $0x80000046;
	[dreg:$0x1] =	wrdreg $0xFFFFFFFF  }
0xa9: {  	s28 =	simm.s32 $_size_execute0_lowered;
	s5 =	sadd.s32 s5, s7;
	[dreg:$0x0] =	wrdreg $0x0  }
0xaa: {  	s7 =	sshll.u32 s28, $0x1;
	[dreg:$0x2] =	wrdreg s5  }
0xab: {  	[dreg:$0x3] =	wrdreg s7  }
0xac: {  	[dreg:$0x4] =	wrdreg $0xC0  }
0xad: {  	_ =	task [dreg:s9], $0x5FFFF  }
0xae: {  	[dreg:$0x1] =	wrdreg $0xFFFFFFFF  }
0xaf: {  	[dreg:$0x0] =	wrdreg $0x60  }
0xb0: {  	[dreg:$0x2] =	wrdreg s2  }
0xb1: {  	[dreg:$0x3] =	wrdreg s18  }
0xb2: {  	[dreg:$0x4] =	wrdreg s4  }
0xb3: {  	[dreg:$0x5] =	wrdreg s24  }
0xb4: {  	[dreg:$0x6] =	wrdreg $0x9  }
0xb5: {  	_ =	task.clear_ibuf [dreg:s9], $0x7FFFF;
	_ =	strace $0x90000046  }
0xb6: {  	s29 =	simm.s32 $0x9;
	_ =	strace $0x80000048  }
0xb7: {  	_ =	swait.ge [sflag:s29], $0x1  }
0xb8: {  	[sflag:s29] =	ssyncadd.s32 $0xFFFFFFFF  }
0xb9: {  	_ =	strace $0x90000048  }
0xba: {  	_ =	sfence  }
0xbb: {  	s30 =	sld [smem:$0x0];
	_ =	sdelay $0x2  }
0xbc: {  	s31 =	sshll.u32 s1, $0xD;
	s1 =	sshrl.u32 s1, $0x2  }
0xbd: {  	s3 =	sand.u32 $0x4000, s31;
	s1 =	sadd.s32 s1, s30  }
0xbe: {  	s0 =	sor.u32 s3, s0;
	s1 =	sshll.u32 s1, $0x11  }
0xbf: {  	s0 =	sor.u32 s1, s0  }
0xc0: {  	s0 =	sadd.s32 $0x8F2B, s0  }
0xc1: {  	[sflag:s0] =	ssyncadd.remote.s32 $0x1  }
0xc2: {  	_ =	sfence.sel $0xFFFF  }
0xc3: {  	[dreg:$0x0] =	wrdreg $0xFFFFFFFF;
	(pc) =	sbr.abs _section_cstart, $3  }
0xc4: {  	[dreg:$0x1] =	wrdreg $0xFFFFFFFF  }
0xc5: {  	_ =	task.clear_ibuf [dreg:s9], $0x2FFFF;
	_ =	strace $0x9FFFFFFF  }
0xc6: {  	(tm) =	ssettm $0x7FFFFFFF  }
0xc7: {  	_ =	shalt  }
tec
execute0_lowered:
.L_overlay_start_1:
0x0: {  	(tag) =	ssettag $0x1  }
0x1: {  	s3 =	rddreg [dreg:$0x0]  }
0x2: {  	s4 =	rddreg [dreg:$0x1]  }
0x3: {  	s5 =	rddreg [dreg:$0x2];
	s1 =	srdreg.scid  }
0x4: {  	s0 =	stileid.u32;
	s6 =	rddreg [dreg:$0x3]  }
0x5: {  	s2 =	simm.s32 $0x0;
	s10 =	simm.s32 $0x1;
	s11 =	simm.s32 $0xD000  }
0x6: {  	s12 =	simm.s32 $0xD200;
	s13 =	simm.s32 $0xD400;
	s14 =	simm.s32 $0x0  }
0x7: {  	s7 =	sand.u32 $0x1, s1;
	s8 =	sshll.u32 s0, $0x1;
	s1 =	rddreg [dreg:$0x4]  }
0x8: {  	s29 =	simm.s32 $0x0;
	[smem:$0x7FF] =	sst s2;
	s8 =	sor.u32 s7, s8  }
0x9: {  	s7 =	ssub.s32 $0x2, s7;
	_ =	strace $0x80000047;
	s9 =	sshll.u32 s8, $0x4  }
0xa: {  	s30 =	sshrl.u32 s7, $0x1;
	s31 =	sshll.u32 s8, $0x9;
	s8 =	sshll.u32 s8, $0x6  }
0xb: {  	s6 =	sadd.s32 s9, s6;
	s7 =	ssub.s32 s7, s30;
	s3 =	sadd.s32 s3, s31  }
0xc: {  	s4 =	sadd.s32 s4, s8;
	s5 =	sadd.s32 s5, s8;
	s8 =	simm.s32 $0x1000  }
0xd: {  	vm0 =	vmmov $0x1;
	s9 =	simm.s32 $0x20000;
	s6 =	sadd.s32 $0x400, s6;
	s7 =	smax.u32 s7, $0x1  }
.LBB2_1:
0xe: {  	[tilespmem:s2], [sflag:$0x1] =	stream.strided.gather [hbm4b:s3+s8], $0xD000, s9, s8, $0x38;
	[tilespmem:$0xD480] =	vst v63  }
0xf: {  	_ =	swait.ge [sflag:s10], $0xD000  }
0x10: {  	[sflag:s10] =	ssyncset.done $0x0  }
0x11: {  	[sflag:s10] =	ssyncadd.s32 $0xFFFF3000  }
0x12: {  	[tilespmem:s11], [sflag:$0x1] =	stream.linear.gather [hbm4b:s4+s2], $0x200, $0x38;
	[tilespmem:$0xD480] =	vst v63  }
0x13: {  	_ =	swait.ge [sflag:s10], $0x200  }
0x14: {  	[sflag:s10] =	ssyncset.done $0x0  }
0x15: {  	[sflag:s10] =	ssyncadd.s32 $0xFFFFFE00  }
0x16: {  	[tilespmem:s12], [sflag:$0x1] =	stream.linear.gather [hbm4b:s5+s2], $0x200, $0x38;
	[tilespmem:$0xD480] =	vst v63  }
0x17: {  	_ =	swait.ge [sflag:s10], $0x200  }
0x18: {  	[sflag:s10] =	ssyncset.done $0x0  }
0x19: {  	v0 =	vimm.f32 $0.0e+00;
	s15 =	simm.s32 $0x0;
	[sflag:s10] =	ssyncadd.s32 $0xFFFFFE00  }
.LBB2_2:
0x1a: {  	s16 =	sshll.u32 s15, $0x4  }
0x1b: {  	s19 =	sand.u32 $0x70, s16  }
0x1c: {  	v2 =	vmov s19  }
0x1d: {  	s17 =	sshll.u32 s15, $0x7;
	s20 =	simm.s32 $0x0;
	s21 =	simm.s32 $0x100  }
0x1e: {  	s18 =	sand.u32 $0xC00, s17;
	s25 =	sand.u32 $0x200, s20;
	s20 =	sand.u32 $0xF000, s20  }
0x1f: {  	s22 =	simm.s32 $0x180;
	s21 =	sand.u32 $0x300, s21;
	s20 =	sor.u32 s20, s18  }
0x20: {  	s23 =	simm.s32 $0x80;
	s24 =	simm.s32 $0x200;
	v1 =	vld [tilespmem:s16+$0xD000];
	s21 =	sadd.s32 s21, s20  }
0x21: {  	s28 =	simm.s32 $0x300;
	s26 =	sand.u32 $0x280, s23;
	s25 =	sadd.s32 s25, s20;
	v10 =	vld.idx.msk [tilespmem:v2+s21+$0x0 ss:$0x1], $0xffff  }
0x22: {  	s17 =	simm.s32 $0x3;
	s22 =	sand.u32 $0x380, s22;
	s26 =	sadd.s32 s26, s20;
	v7 =	vld.idx.msk [tilespmem:v2+s25+$0x0 ss:$0x1], $0xffff  }
0x23: {  	s23 =	sand.u32 $0x200, s24;
	s19 =	simm.s32 $0x800;
	s22 =	sadd.s32 s22, s20;
	v4 =	vld.idx.msk [tilespmem:v2+s26+$0x0 ss:$0x1], $0xffff  }
0x24: {  	s24 =	simm.s32 $0x280;
	s31 =	sand.u32 $0x300, s28;
	s30 =	sand.u32 $0xF000, s19;
	v5 =	vld.idx.msk [tilespmem:v2+s22+$0x0 ss:$0x1], $0xffff  }
0x25: {  	v3 =	vimm.f32 $3.000000010e+38;
	v9 =	vimm.f32 $0.0e+00;
	v8 =	vimm.f32 $0.0e+00;
	s28 =	simm.s32 $0x1;
	s20 =	simm.s32 $0x380;
	s21 =	sor.u32 s30, s18  }
0x26: {  	v6 =	vimm.f32 $3.000000010e+38;
	vm2 =	vgt.s32 v1, s29;
	vm1 =	vgt.s32 v1, s17;
	s25 =	simm.s32 $0x2;
	s22 =	simm.s32 $0x400;
	s26 =	sadd.s32 s31, s21  }
.LBB2_3:
0x27: {  	p0 =	sne.s32 s22, $0x3000;
	s23 =	sadd.s32 s23, s21;
	s24 =	sand.u32 $0x280, s24;
	v11 =	vld.idx.msk [tilespmem:v2+s26+$0x0 ss:$0x1], $0xffff;
	v12 =	vnsel vm2, $0x7F61B1E6, v7;
	vm2 =	vgt.s32 v1, s28;
	vm3 =	vgt.s32 v1, s25  }
0x28: {  	s20 =	sand.u32 $0x380, s20;
	s19 =	sadd.s32 $0x800, s19;
	v7 =	vld.idx.msk [tilespmem:v2+s23+$0x0 ss:$0x1], $0xffff;
	s23 =	sadd.s32 s24, s21;
	v13 =	vmin.f32 v12, $1.000000050e-03;
	v14 =	vnsel vm2, $0x7F61B1E6, v4;
	v10 =	vnsel vm3, $0x7F61B1E6, v10  }
.Ltmp0:
0x29: {  	s17 =	sadd.s32 $0x4, s17;
	s21 =	sadd.s32 s20, s21;
	v15 =	vnsel vm1, $0x7F61B1E6, v5;
	v4 =	vld.idx.msk [tilespmem:v2+s23+$0x0 ss:$0x1], $0xffff;
	v9 =	vadd.f32 v13, v9;
	v13 =	vmin.f32 v14, $1.000000050e-03;
	(pc) =	sbr.rel @p0 .LBB2_3-.Ltmp0, $4  }
0x2a: {  	s26 =	sadd.s32 $0x100, s22;
	s20 =	sadd.s32 $0x180, s22;
	s23 =	sand.u32 $0x200, s22;
	v16 =	vmin.f32 v15, $1.000000050e-03;
	v5 =	vld.idx.msk [tilespmem:v2+s21+$0x0 ss:$0x1], $0xffff;
	v8 =	vadd.f32 v13, v8;
	v13 =	vmin.f32 v10, $1.000000050e-03  }
0x2b: {  	s24 =	sadd.s32 $0x80, s22;
	s25 =	sadd.s32 $0xFFFFFFFF, s17;
	v3 =	vmin.f32 v3, v12;
	v6 =	vmin.f32 v6, v14;
	s21 =	sand.u32 $0xF000, s19;
	v9 =	vadd.f32 v13, v9  }
0x2c: {  	s26 =	sand.u32 $0x300, s26;
	s28 =	sadd.s32 $0xFFFFFFFD, s17;
	v3 =	vmin.f32 v3, v10;
	v6 =	vmin.f32 v6, v15;
	s21 =	sor.u32 s21, s18;
	v8 =	vadd.f32 v16, v8  }
0x2d: {  	vm1 =	vgt.s32 v1, s17;
	s22 =	sadd.s32 $0x200, s22;
	vm2 =	vgt.s32 v1, s28;
	s28 =	sadd.s32 $0xFFFFFFFE, s17;
	s26 =	sadd.s32 s26, s21;
	v10 =	vmov v11  }
0x2e: {  	_ =	sdelay $0x1  }
0x2f: {  	v7 =	vnsel vm2, $0x7F61B1E6, v7;
	vm2 =	vgt.s32 v1, s28  }
0x30: {  	s18 =	sadd.s32 s23, s21;
	s19 =	sand.u32 $0x280, s24;
	vm3 =	vgt.s32 v1, s25;
	v52 =	vcvt.s32.f32 v1;
	v11 =	vmin.f32 v7, $1.000000050e-03  }
0x31: {  	s17 =	sadd.s32 $0x4, s17;
	v4 =	vnsel vm2, $0x7F61B1E6, v4;
	v12 =	vld.idx.msk [tilespmem:v2+s18+$0x0 ss:$0x1], $0xffff;
	s24 =	sadd.s32 s19, s21;
	v10 =	vnsel vm3, $0x7F61B1E6, v10;
	v5 =	vnsel vm1, $0x7F61B1E6, v5  }
0x32: {  	s25 =	sand.u32 $0x380, s20;
	v3 =	vmin.f32 v3, v7;
	vm2 =	vgt.s32 v1, s17;
	v9 =	vadd.f32 v11, v9;
	v13 =	vld.idx.msk [tilespmem:v2+s24+$0x0 ss:$0x1], $0xffff  }
0x33: {  	v14 =	vld.idx.msk [tilespmem:v2+s26+$0x0 ss:$0x1], $0xffff;
	s26 =	sadd.s32 s25, s21;
	s28 =	sadd.s32 $0xFFFFFFFD, s17;
	v48 =	vmin.f32 v4, $1.000000050e-03;
	v49 =	vmin.f32 v10, $1.000000050e-03;
	v15 =	vmin.f32 v5, $1.000000050e-03  }
0x34: {  	s31 =	sadd.s32 $0xFFFFFFFF, s17;
	v4 =	vmin.f32 v6, v4;
	v2 =	vld.idx.msk [tilespmem:v2+s26+$0x0 ss:$0x1], $0xffff;
	v3 =	vmin.f32 v3, v10;
	vm1 =	vgt.s32 v1, s28  }
0x35: {  	s30 =	sadd.s32 $0xFFFFFFFE, s17;
	vm3 =	vgt.s32 v1, s31;
	(erf) = vrcp.f32 v52;
	v8 =	vadd.f32 v48, v8  }
0x36: {  	v4 =	vmin.f32 v4, v5;
	v53 =	vnsel vm1, $0x7F61B1E6, v12;
	vm1 =	vgt.s32 v1, s30  }
0x37: {  	v50 =	vadd.f32 v49, v9;
	v51 =	vadd.f32 v15, v8;
	v1 =	vnsel vm1, $0x7F61B1E6, v13  }
0x38: {  	v55 =	vnsel vm3, $0x7F61B1E6, v14;
	v54 =	vmin.f32 v53, $1.000000050e-03;
	v56 =	vmin.f32 v1, $1.000000050e-03  }
0x39: {  	v2 =	vnsel vm2, $0x7F61B1E6, v2;
	v5 =	vadd.f32 v54, v50;
	v57 =	vadd.f32 v56, v51  }
0x3a: {  	v58 =	vmin.f32 v55, $1.000000050e-03;
	v3 =	vmin.f32 v3, v53;
	v59 =	vmin.f32 v2, $1.000000050e-03  }
0x3b: {  	v1 =	vmin.f32 v4, v1;
	v60 =	vadd.f32 v58, v5;
	v61 =	vadd.f32 v59, v57  }
0x3c: {  	v3 =	vmin.f32 v3, v55;
	v1 =	vmin.f32 v1, v2  }
0x3d: {  	v1 =	vmin.f32 v3, v1;
	v3 =	vld [tilespmem:s16+$0xD200];
	v2 =	vadd.f32 v61, v60  }
0x3e: {  	s15 =	sadd.s32 $0x1, s15;
	v1 =	vadd.f32 $1.500000060e-01, v1  }
0x3f: {  	p0 =	sne.s32 s15, $0x20;
	v2 =	vsub.f32 $1.000000010e-01, v2  }
.Ltmp1:
0x40: {  	v62 =	vpop (erf);
	v63 =	vmul.f32 $9.999999770e-03, v1;
	(pc) =	sbr.rel @p0 .LBB2_2-.Ltmp1, $4  }
0x41: {  	vm1 =	vge.f32 v1, $0.0e+00;
	v2 =	vmul.f32 v2, v62  }
0x42: {  	v1 =	vsel vm1, v1, v63;
	vm1 =	veq.s32 v3, $0x1  }
0x43: {  	v1 =	vsel vm1, v2, v1  }
0x44: {  	v0 =	vadd.f32 v1, v0  }
0x45: {  	_ = 	snop  }
0x46: {  	(xrf2) =	vadd.scan.msk.f32 $0xffff, v0;
	_ =	sdelay $0x9  }
0x47: {  	v0, _, _ =	vpop (xrf2)  }
0x48: {  	v0 =	vbroadcast v0, $0xF  }
0x49: {  	s14 =	sadd.s32 $0x1, s14  }
0x4a: {  	p0 =	sne.s32 s14, s7;
	v0 =	vnsel vm0, $0x0, v0  }
.Ltmp2:
0x4b: {  	[tilespmem:$0xD400] =	vst v0;
	(pc) =	sbr.rel @p0 .LBB2_1-.Ltmp2, $4  }
0x4c: {  	[hbm4b:s6+s2] =	stream.linear.scatter [tilespmem:s13], [sflag:$0x1], $0x80, $0x38;
	[tilespmem:$0xD480] =	vst v63  }
0x4d: {  	_ =	swait.ge [sflag:s10], $0x80  }
0x4e: {  	[sflag:s10] =	ssyncset.done $0x0  }
0x4f: {  	[sflag:s10] =	ssyncadd.s32 $0xFFFFFF80  }
0x50: {  	_ =	sfence.sel $0x180000  }
0x51: {  	[bflag:$0x0] =	sbarrier.arrive $0xFFFF  }
0x52: {  	p0 =	sne.s32 s0, $0x0;
	_ =	strace $0x90000047  }
0x53: {  	s0 =	sadd.s32 @!p0 $0x100000, s1;
	[bflag:$0x2] =	sbarrier.arrive $0xFFFF  }
0x54: {  	[sflag:s0] =	ssyncadd.tile.s32 @!p0 $0x1;
	_ =	shalt  }
.Lfunc_end2:
_tile_overlayer_lowered:
.L_overlay_start_2:
0x55: {  	(tag) =	ssettag $0x2  }
0x56: {  	s0 =	rddreg [dreg:$0x0];
	s2 =	stileid.u32  }
0x57: {  	s1 =	rddreg [dreg:$0x1];
	p0 =	sne.s32 s2, $0x0  }
0x58: {  	s3 =	rddreg [dreg:$0x2];
	[bflag:$0x3] =	sbarrier.arrive $0xFFFF;
	s2 =	simm.s32 @!p0 $0x1C01  }
0x59: {  	[timem:s3], [sflag:s2] =	dma.local @!p0 [hbm:s0], s1  }
0x5a: {  	s0 =	simm.s32 @!p0 $0x1  }
0x5b: {  	_ =	swait.ge @!p0 [sflag:s0], s1  }
0x5c: {  	s1 =	ssub.s32 @!p0 $0x0, s1;
	[sflag:s0] =	ssyncset.done @!p0 $0x0  }
0x5d: {  	[sflag:s0] =	ssyncadd.s32 @!p0 s1  }
0x5e: {  	[bflag:$0x3] =	sbarrier.arrive $0xFFFF  }
0x5f: {  	_ =	shalt  }

</sc_bundles>
